<compile_context>
chip_gen: v7x
topology: tpu7x:2x2x1
jax: 0.10.2.dev20260603
libtpu: 0.0.44.dev20260713+nightly
codegen_flags: <defaults>
</compile_context>

<pallas_src>
import jax
import jax.numpy as jnp
from jax import lax
from jax.experimental import pallas as pl
from jax.experimental.pallas import tpu as pltpu
from jax.experimental.pallas import tpu_sc as plsc

NUM_ENT = 1000000
NUM_REL = 1000
D = 64
B = 16384

_info = plsc.get_sparse_core_info()
NC, NS, L = _info.num_cores, _info.num_subcores, _info.num_lanes
NW = NC * NS
BW = B // NW
CH = 128
NCH = BW // CH


def _body(h_hbm, r_hbm, t_hbm, e_hbm, rtab_hbm, out_hbm,
          h_v, r_v, t_v, eh_v, rr_v, et_v, out_v, sem):
    wid = lax.axis_index("s") * NC + lax.axis_index("c")
    base = wid * BW

    pltpu.sync_copy(h_hbm.at[wid], h_v)
    pltpu.sync_copy(r_hbm.at[wid], r_v)
    pltpu.sync_copy(t_hbm.at[wid], t_v)

    copies = []
    for j in range(NCH):
        rows = pl.ds(j * CH, CH)
        copies.append(pltpu.async_copy(e_hbm.at[h_v.at[j]], eh_v.at[rows], sem))
        copies.append(pltpu.async_copy(rtab_hbm.at[r_v.at[j]], rr_v.at[rows], sem))
        copies.append(pltpu.async_copy(e_hbm.at[t_v.at[j]], et_v.at[rows], sem))
    for c in copies:
        c.wait()

    lanes = lax.iota(jnp.int32, L)

    def group(g, _):
        ridx = g * L + lanes
        def dstep(d, acc):
            dsplat = jnp.zeros((L,), jnp.int32) + d
            gh = plsc.load_gather(eh_v, [ridx, dsplat])
            gr = plsc.load_gather(rr_v, [ridx, dsplat])
            gt = plsc.load_gather(et_v, [ridx, dsplat])
            return acc + jnp.abs(gh + gr - gt)
        acc = lax.fori_loop(0, D, dstep, jnp.zeros((L,), jnp.float32))
        out_v[pl.ds(g * L, L)] = acc
        return 0

    lax.fori_loop(0, BW // L, group, 0)

    pltpu.sync_copy(out_v, out_hbm.at[pl.ds(base, BW)])


def kernel(h, r, t, E, R):
    h = h.astype(jnp.int32).reshape(NW, NCH, CH)
    r = r.astype(jnp.int32).reshape(NW, NCH, CH)
    t = t.astype(jnp.int32).reshape(NW, NCH, CH)

    mesh = plsc.VectorSubcoreMesh(core_axis_name="c", subcore_axis_name="s")
    run = pl.kernel(
        _body,
        out_type=jax.ShapeDtypeStruct((B,), jnp.float32),
        mesh=mesh,
        compiler_params=pltpu.CompilerParams(
            needs_layout_passes=False, use_tc_tiling_on_sc=False),
        scratch_types=[
            pltpu.VMEM((NCH, CH), jnp.int32),
            pltpu.VMEM((NCH, CH), jnp.int32),
            pltpu.VMEM((NCH, CH), jnp.int32),
            pltpu.VMEM((BW, D), jnp.float32),
            pltpu.VMEM((BW, D), jnp.float32),
            pltpu.VMEM((BW, D), jnp.float32),
            pltpu.VMEM((BW,), jnp.float32),
            pltpu.SemaphoreType.DMA,
        ],
    )
    return run(h, r, t, E, R)

# --- scband reference (transcript-rebuilt; emitter-appended) ---
"""Pipeline reference for scband-trans-e-22943715295945 (READ-ONLY COPY).

The authoritative reference and input builder live on the scoring server;
editing this copy changes nothing except your own understanding.
"""

import jax, jax.numpy as jnp
import numpy as np

NUM_ENTITIES = 1000000
NUM_RELATIONS = 1000
DIM = 64
BATCH = 16384


def setup_inputs(seed: int = 0) -> dict:
    key = jax.random.key(seed)
    k1, k2, k3, k4, k5 = jax.random.split(key, 5)
    h = jax.random.randint(k1, (BATCH,), 0, NUM_ENTITIES, dtype=jnp.int64) if jax.config.jax_enable_x64 else jax.random.randint(k1, (BATCH,), 0, NUM_ENTITIES).astype(jnp.int32)
    r = jax.random.randint(k2, (BATCH,), 0, NUM_RELATIONS).astype(h.dtype)
    t = jax.random.randint(k3, (BATCH,), 0, NUM_ENTITIES).astype(h.dtype)
    # xavier_uniform init: bound = sqrt(6 / (fan_in + fan_out))
    bound_E = float(np.sqrt(6.0 / (NUM_ENTITIES + DIM)))
    bound_R = float(np.sqrt(6.0 / (NUM_RELATIONS + DIM)))
    E = jax.random.uniform(k4, (NUM_ENTITIES, DIM), minval=-bound_E, maxval=bound_E, dtype=jnp.float32)
    R = jax.random.uniform(k5, (NUM_RELATIONS, DIM), minval=-bound_R, maxval=bound_R, dtype=jnp.float32)
    return {"h": h, "r": r, "t": t, "E": E, "R": R}


def reference(h, r, t, E, R):
    # TransE forward: || E[h] + R[r] - E[t] ||_1 along dim=1
    eh = jnp.take(E, h, axis=0)
    rr = jnp.take(R, r, axis=0)
    et = jnp.take(E, t, axis=0)
    return jnp.sum(jnp.abs(eh + rr - et), axis=1)

if __name__ == "__main__":
    import jax
    _d = setup_inputs()
    print(jax.jit(kernel)(*tuple(_d.values())))

</pallas_src>

<mosaic_0001>
#map = affine_map<(d0, d1) -> (0, 0, 0)>
#map1 = affine_map<(d0, d1) -> (0, 0)>
#map2 = affine_map<(d0, d1) -> (0)>
module attributes {stable_mosaic.version = 14 : i64} {
  func.func @_body(%arg0: i32, %arg1: i32, %arg2: memref<32x4x128xi32, #tpu.memory_space<hbm>>, %arg3: memref<32x4x128xi32, #tpu.memory_space<hbm>>, %arg4: memref<32x4x128xi32, #tpu.memory_space<hbm>>, %arg5: memref<1000000x64xf32, #tpu.memory_space<hbm>>, %arg6: memref<1000x64xf32, #tpu.memory_space<hbm>>, %arg7: memref<16384xf32, #tpu.memory_space<hbm>>, %arg8: memref<4x128xi32, #tpu.memory_space<vmem>>, %arg9: memref<4x128xi32, #tpu.memory_space<vmem>>, %arg10: memref<4x128xi32, #tpu.memory_space<vmem>>, %arg11: memref<512x64xf32, #tpu.memory_space<vmem>>, %arg12: memref<512x64xf32, #tpu.memory_space<vmem>>, %arg13: memref<512x64xf32, #tpu.memory_space<vmem>>, %arg14: memref<512xf32, #tpu.memory_space<vmem>>, %arg15: memref<!tpu.dma_semaphore, #tpu.memory_space<semaphore_mem>>) attributes {dimension_semantics = [#tpu.dimension_semantics<core_parallel>, #tpu.dimension_semantics<subcore_parallel>], iteration_bounds = array<i64: 2, 16>, scalar_prefetch = 0 : i64, scratch_operands = 8 : i64, tpu.core_type = #tpu.core_type<sc_vector_subcore>, window_params = [{transform_indices = #map}, {transform_indices = #map}, {transform_indices = #map}, {transform_indices = #map1}, {transform_indices = #map1}, {transform_indices = #map2}]} {
    %mul3A = arith.constant 2 : i32
    %mul3A_0 = arith.muli %arg1, %mul3A : i32
    %add3A = arith.addi %mul3A_0, %arg0 : i32
    %mul3A_1 = arith.constant 512 : i32
    %mul3A_2 = arith.muli %add3A, %mul3A_1 : i32
    "tpu.region"() ({
      %run_scoped3A = tpu.sem_alloc : memref<!tpu.dma_semaphore, #tpu.memory_space<semaphore_mem>>
      %dma_start3A_247 = arith.constant 0 : i32
      %dma_start3A_248 = arith.constant 0 : i32
      %dma_start3A_249 = tpu.memref_slice %arg2[%add3A, %dma_start3A_247, %dma_start3A_248] : memref<32x4x128xi32, #tpu.memory_space<hbm>> -> memref<1x4x128xi32, #tpu.memory_space<hbm>>
      %dma_start3A_250 = tpu.memref_squeeze %dma_start3A_249 : memref<1x4x128xi32, #tpu.memory_space<hbm>> -> memref<4x128xi32, #tpu.memory_space<hbm>>
      %dma_start3A_251 = arith.constant 0 : i32
      %dma_start3A_252 = arith.constant 0 : i32
      %dma_start3A_253 = tpu.memref_slice %arg2[%add3A, %dma_start3A_251, %dma_start3A_252] : memref<32x4x128xi32, #tpu.memory_space<hbm>> -> memref<1x4x128xi32, #tpu.memory_space<hbm>>
      %dma_start3A_254 = tpu.memref_squeeze %dma_start3A_253 : memref<1x4x128xi32, #tpu.memory_space<hbm>> -> memref<4x128xi32, #tpu.memory_space<hbm>>
      tpu.enqueue_dma source(%dma_start3A_254 : memref<4x128xi32, #tpu.memory_space<hbm>>) target(%arg8 : memref<4x128xi32, #tpu.memory_space<vmem>>) target_semaphore(%run_scoped3A : memref<!tpu.dma_semaphore, #tpu.memory_space<semaphore_mem>>)
      %dma_wait3A_255 = arith.constant 0 : i32
      %dma_wait3A_256 = arith.constant 0 : i32
      %dma_wait3A_257 = tpu.memref_slice %arg2[%add3A, %dma_wait3A_255, %dma_wait3A_256] : memref<32x4x128xi32, #tpu.memory_space<hbm>> -> memref<1x4x128xi32, #tpu.memory_space<hbm>>
      %dma_wait3A_258 = tpu.memref_squeeze %dma_wait3A_257 : memref<1x4x128xi32, #tpu.memory_space<hbm>> -> memref<4x128xi32, #tpu.memory_space<hbm>>
      %dma_wait3A_259 = arith.constant 0 : i32
      %dma_wait3A_260 = arith.constant 0 : i32
      %dma_wait3A_261 = tpu.memref_slice %arg2[%add3A, %dma_wait3A_259, %dma_wait3A_260] : memref<32x4x128xi32, #tpu.memory_space<hbm>> -> memref<1x4x128xi32, #tpu.memory_space<hbm>>
      %dma_wait3A_262 = tpu.memref_squeeze %dma_wait3A_261 : memref<1x4x128xi32, #tpu.memory_space<hbm>> -> memref<4x128xi32, #tpu.memory_space<hbm>>
      tpu.wait_dma2 semaphore(%run_scoped3A : memref<!tpu.dma_semaphore, #tpu.memory_space<semaphore_mem>>) src(%dma_wait3A_262 : memref<4x128xi32, #tpu.memory_space<hbm>>) dst(%arg8 : memref<4x128xi32, #tpu.memory_space<vmem>>)
      tpu.yield
    }) : () -> ()
    "tpu.region"() ({
      %run_scoped3A = tpu.sem_alloc : memref<!tpu.dma_semaphore, #tpu.memory_space<semaphore_mem>>
      %dma_start3A_247 = arith.constant 0 : i32
      %dma_start3A_248 = arith.constant 0 : i32
      %dma_start3A_249 = tpu.memref_slice %arg3[%add3A, %dma_start3A_247, %dma_start3A_248] : memref<32x4x128xi32, #tpu.memory_space<hbm>> -> memref<1x4x128xi32, #tpu.memory_space<hbm>>
      %dma_start3A_250 = tpu.memref_squeeze %dma_start3A_249 : memref<1x4x128xi32, #tpu.memory_space<hbm>> -> memref<4x128xi32, #tpu.memory_space<hbm>>
      %dma_start3A_251 = arith.constant 0 : i32
      %dma_start3A_252 = arith.constant 0 : i32
      %dma_start3A_253 = tpu.memref_slice %arg3[%add3A, %dma_start3A_251, %dma_start3A_252] : memref<32x4x128xi32, #tpu.memory_space<hbm>> -> memref<1x4x128xi32, #tpu.memory_space<hbm>>
      %dma_start3A_254 = tpu.memref_squeeze %dma_start3A_253 : memref<1x4x128xi32, #tpu.memory_space<hbm>> -> memref<4x128xi32, #tpu.memory_space<hbm>>
      tpu.enqueue_dma source(%dma_start3A_254 : memref<4x128xi32, #tpu.memory_space<hbm>>) target(%arg9 : memref<4x128xi32, #tpu.memory_space<vmem>>) target_semaphore(%run_scoped3A : memref<!tpu.dma_semaphore, #tpu.memory_space<semaphore_mem>>)
      %dma_wait3A_255 = arith.constant 0 : i32
      %dma_wait3A_256 = arith.constant 0 : i32
      %dma_wait3A_257 = tpu.memref_slice %arg3[%add3A, %dma_wait3A_255, %dma_wait3A_256] : memref<32x4x128xi32, #tpu.memory_space<hbm>> -> memref<1x4x128xi32, #tpu.memory_space<hbm>>
      %dma_wait3A_258 = tpu.memref_squeeze %dma_wait3A_257 : memref<1x4x128xi32, #tpu.memory_space<hbm>> -> memref<4x128xi32, #tpu.memory_space<hbm>>
      %dma_wait3A_259 = arith.constant 0 : i32
      %dma_wait3A_260 = arith.constant 0 : i32
      %dma_wait3A_261 = tpu.memref_slice %arg3[%add3A, %dma_wait3A_259, %dma_wait3A_260] : memref<32x4x128xi32, #tpu.memory_space<hbm>> -> memref<1x4x128xi32, #tpu.memory_space<hbm>>
      %dma_wait3A_262 = tpu.memref_squeeze %dma_wait3A_261 : memref<1x4x128xi32, #tpu.memory_space<hbm>> -> memref<4x128xi32, #tpu.memory_space<hbm>>
      tpu.wait_dma2 semaphore(%run_scoped3A : memref<!tpu.dma_semaphore, #tpu.memory_space<semaphore_mem>>) src(%dma_wait3A_262 : memref<4x128xi32, #tpu.memory_space<hbm>>) dst(%arg9 : memref<4x128xi32, #tpu.memory_space<vmem>>)
      tpu.yield
    }) : () -> ()
    "tpu.region"() ({
      %run_scoped3A = tpu.sem_alloc : memref<!tpu.dma_semaphore, #tpu.memory_space<semaphore_mem>>
      %dma_start3A_247 = arith.constant 0 : i32
      %dma_start3A_248 = arith.constant 0 : i32
      %dma_start3A_249 = tpu.memref_slice %arg4[%add3A, %dma_start3A_247, %dma_start3A_248] : memref<32x4x128xi32, #tpu.memory_space<hbm>> -> memref<1x4x128xi32, #tpu.memory_space<hbm>>
      %dma_start3A_250 = tpu.memref_squeeze %dma_start3A_249 : memref<1x4x128xi32, #tpu.memory_space<hbm>> -> memref<4x128xi32, #tpu.memory_space<hbm>>
      %dma_start3A_251 = arith.constant 0 : i32
      %dma_start3A_252 = arith.constant 0 : i32
      %dma_start3A_253 = tpu.memref_slice %arg4[%add3A, %dma_start3A_251, %dma_start3A_252] : memref<32x4x128xi32, #tpu.memory_space<hbm>> -> memref<1x4x128xi32, #tpu.memory_space<hbm>>
      %dma_start3A_254 = tpu.memref_squeeze %dma_start3A_253 : memref<1x4x128xi32, #tpu.memory_space<hbm>> -> memref<4x128xi32, #tpu.memory_space<hbm>>
      tpu.enqueue_dma source(%dma_start3A_254 : memref<4x128xi32, #tpu.memory_space<hbm>>) target(%arg10 : memref<4x128xi32, #tpu.memory_space<vmem>>) target_semaphore(%run_scoped3A : memref<!tpu.dma_semaphore, #tpu.memory_space<semaphore_mem>>)
      %dma_wait3A_255 = arith.constant 0 : i32
      %dma_wait3A_256 = arith.constant 0 : i32
      %dma_wait3A_257 = tpu.memref_slice %arg4[%add3A, %dma_wait3A_255, %dma_wait3A_256] : memref<32x4x128xi32, #tpu.memory_space<hbm>> -> memref<1x4x128xi32, #tpu.memory_space<hbm>>
      %dma_wait3A_258 = tpu.memref_squeeze %dma_wait3A_257 : memref<1x4x128xi32, #tpu.memory_space<hbm>> -> memref<4x128xi32, #tpu.memory_space<hbm>>
      %dma_wait3A_259 = arith.constant 0 : i32
      %dma_wait3A_260 = arith.constant 0 : i32
      %dma_wait3A_261 = tpu.memref_slice %arg4[%add3A, %dma_wait3A_259, %dma_wait3A_260] : memref<32x4x128xi32, #tpu.memory_space<hbm>> -> memref<1x4x128xi32, #tpu.memory_space<hbm>>
      %dma_wait3A_262 = tpu.memref_squeeze %dma_wait3A_261 : memref<1x4x128xi32, #tpu.memory_space<hbm>> -> memref<4x128xi32, #tpu.memory_space<hbm>>
      tpu.wait_dma2 semaphore(%run_scoped3A : memref<!tpu.dma_semaphore, #tpu.memory_space<semaphore_mem>>) src(%dma_wait3A_262 : memref<4x128xi32, #tpu.memory_space<hbm>>) dst(%arg10 : memref<4x128xi32, #tpu.memory_space<vmem>>)
      tpu.yield
    }) : () -> ()
    %dma_start3A = arith.constant 0 : i32
    %dma_start3A_3 = arith.constant 0 : i32
    %dma_start3A_4 = arith.constant 0 : i32
    %dma_start3A_5 = tpu.memref_slice %arg11[%dma_start3A_3, %dma_start3A_4] : memref<512x64xf32, #tpu.memory_space<vmem>> -> memref<128x64xf32, #tpu.memory_space<vmem>>
    %dma_start3A_6 = arith.constant 0 : i32
    %dma_start3A_7 = tpu.memref_slice %arg8[%dma_start3A, %dma_start3A_6] : memref<4x128xi32, #tpu.memory_space<vmem>> -> memref<1x128xi32, #tpu.memory_space<vmem>>
    %dma_start3A_8 = tpu.memref_squeeze %dma_start3A_7 : memref<1x128xi32, #tpu.memory_space<vmem>> -> memref<128xi32, #tpu.memory_space<vmem>>
    %dma_start3A_9 = arith.constant 0 : i32
    %dma_start3A_10 = arith.constant 0 : i32
    %dma_start3A_11 = tpu.memref_slice %arg5[%dma_start3A_9, %dma_start3A_10] : memref<1000000x64xf32, #tpu.memory_space<hbm>> -> memref<1000000x64xf32, #tpu.memory_space<hbm>>
    tpu.enqueue_indirect_dma source(%dma_start3A_11 : memref<1000000x64xf32, #tpu.memory_space<hbm>>) target(%dma_start3A_5 : memref<128x64xf32, #tpu.memory_space<vmem>>) offsets(%dma_start3A_8 : memref<128xi32, #tpu.memory_space<vmem>>) semaphore(%arg15 : memref<!tpu.dma_semaphore, #tpu.memory_space<semaphore_mem>>)
    %dma_start3A_12 = arith.constant 0 : i32
    %dma_start3A_13 = arith.constant 0 : i32
    %dma_start3A_14 = arith.constant 0 : i32
    %dma_start3A_15 = tpu.memref_slice %arg12[%dma_start3A_13, %dma_start3A_14] : memref<512x64xf32, #tpu.memory_space<vmem>> -> memref<128x64xf32, #tpu.memory_space<vmem>>
    %dma_start3A_16 = arith.constant 0 : i32
    %dma_start3A_17 = tpu.memref_slice %arg9[%dma_start3A_12, %dma_start3A_16] : memref<4x128xi32, #tpu.memory_space<vmem>> -> memref<1x128xi32, #tpu.memory_space<vmem>>
    %dma_start3A_18 = tpu.memref_squeeze %dma_start3A_17 : memref<1x128xi32, #tpu.memory_space<vmem>> -> memref<128xi32, #tpu.memory_space<vmem>>
    %dma_start3A_19 = arith.constant 0 : i32
    %dma_start3A_20 = arith.constant 0 : i32
    %dma_start3A_21 = tpu.memref_slice %arg6[%dma_start3A_19, %dma_start3A_20] : memref<1000x64xf32, #tpu.memory_space<hbm>> -> memref<1000x64xf32, #tpu.memory_space<hbm>>
    tpu.enqueue_indirect_dma source(%dma_start3A_21 : memref<1000x64xf32, #tpu.memory_space<hbm>>) target(%dma_start3A_15 : memref<128x64xf32, #tpu.memory_space<vmem>>) offsets(%dma_start3A_18 : memref<128xi32, #tpu.memory_space<vmem>>) semaphore(%arg15 : memref<!tpu.dma_semaphore, #tpu.memory_space<semaphore_mem>>)
    %dma_start3A_22 = arith.constant 0 : i32
    %dma_start3A_23 = arith.constant 0 : i32
    %dma_start3A_24 = arith.constant 0 : i32
    %dma_start3A_25 = tpu.memref_slice %arg13[%dma_start3A_23, %dma_start3A_24] : memref<512x64xf32, #tpu.memory_space<vmem>> -> memref<128x64xf32, #tpu.memory_space<vmem>>
    %dma_start3A_26 = arith.constant 0 : i32
    %dma_start3A_27 = tpu.memref_slice %arg10[%dma_start3A_22, %dma_start3A_26] : memref<4x128xi32, #tpu.memory_space<vmem>> -> memref<1x128xi32, #tpu.memory_space<vmem>>
    %dma_start3A_28 = tpu.memref_squeeze %dma_start3A_27 : memref<1x128xi32, #tpu.memory_space<vmem>> -> memref<128xi32, #tpu.memory_space<vmem>>
    %dma_start3A_29 = arith.constant 0 : i32
    %dma_start3A_30 = arith.constant 0 : i32
    %dma_start3A_31 = tpu.memref_slice %arg5[%dma_start3A_29, %dma_start3A_30] : memref<1000000x64xf32, #tpu.memory_space<hbm>> -> memref<1000000x64xf32, #tpu.memory_space<hbm>>
    tpu.enqueue_indirect_dma source(%dma_start3A_31 : memref<1000000x64xf32, #tpu.memory_space<hbm>>) target(%dma_start3A_25 : memref<128x64xf32, #tpu.memory_space<vmem>>) offsets(%dma_start3A_28 : memref<128xi32, #tpu.memory_space<vmem>>) semaphore(%arg15 : memref<!tpu.dma_semaphore, #tpu.memory_space<semaphore_mem>>)
    %dma_start3A_32 = arith.constant 1 : i32
    %dma_start3A_33 = arith.constant 128 : i32
    %dma_start3A_34 = arith.constant 0 : i32
    %dma_start3A_35 = tpu.memref_slice %arg11[%dma_start3A_33, %dma_start3A_34] : memref<512x64xf32, #tpu.memory_space<vmem>> -> memref<128x64xf32, #tpu.memory_space<vmem>>
    %dma_start3A_36 = arith.constant 0 : i32
    %dma_start3A_37 = tpu.memref_slice %arg8[%dma_start3A_32, %dma_start3A_36] : memref<4x128xi32, #tpu.memory_space<vmem>> -> memref<1x128xi32, #tpu.memory_space<vmem>>
    %dma_start3A_38 = tpu.memref_squeeze %dma_start3A_37 : memref<1x128xi32, #tpu.memory_space<vmem>> -> memref<128xi32, #tpu.memory_space<vmem>>
    %dma_start3A_39 = arith.constant 0 : i32
    %dma_start3A_40 = arith.constant 0 : i32
    %dma_start3A_41 = tpu.memref_slice %arg5[%dma_start3A_39, %dma_start3A_40] : memref<1000000x64xf32, #tpu.memory_space<hbm>> -> memref<1000000x64xf32, #tpu.memory_space<hbm>>
    tpu.enqueue_indirect_dma source(%dma_start3A_41 : memref<1000000x64xf32, #tpu.memory_space<hbm>>) target(%dma_start3A_35 : memref<128x64xf32, #tpu.memory_space<vmem>>) offsets(%dma_start3A_38 : memref<128xi32, #tpu.memory_space<vmem>>) semaphore(%arg15 : memref<!tpu.dma_semaphore, #tpu.memory_space<semaphore_mem>>)
    %dma_start3A_42 = arith.constant 1 : i32
    %dma_start3A_43 = arith.constant 128 : i32
    %dma_start3A_44 = arith.constant 0 : i32
    %dma_start3A_45 = tpu.memref_slice %arg12[%dma_start3A_43, %dma_start3A_44] : memref<512x64xf32, #tpu.memory_space<vmem>> -> memref<128x64xf32, #tpu.memory_space<vmem>>
    %dma_start3A_46 = arith.constant 0 : i32
    %dma_start3A_47 = tpu.memref_slice %arg9[%dma_start3A_42, %dma_start3A_46] : memref<4x128xi32, #tpu.memory_space<vmem>> -> memref<1x128xi32, #tpu.memory_space<vmem>>
    %dma_start3A_48 = tpu.memref_squeeze %dma_start3A_47 : memref<1x128xi32, #tpu.memory_space<vmem>> -> memref<128xi32, #tpu.memory_space<vmem>>
    %dma_start3A_49 = arith.constant 0 : i32
    %dma_start3A_50 = arith.constant 0 : i32
    %dma_start3A_51 = tpu.memref_slice %arg6[%dma_start3A_49, %dma_start3A_50] : memref<1000x64xf32, #tpu.memory_space<hbm>> -> memref<1000x64xf32, #tpu.memory_space<hbm>>
    tpu.enqueue_indirect_dma source(%dma_start3A_51 : memref<1000x64xf32, #tpu.memory_space<hbm>>) target(%dma_start3A_45 : memref<128x64xf32, #tpu.memory_space<vmem>>) offsets(%dma_start3A_48 : memref<128xi32, #tpu.memory_space<vmem>>) semaphore(%arg15 : memref<!tpu.dma_semaphore, #tpu.memory_space<semaphore_mem>>)
    %dma_start3A_52 = arith.constant 1 : i32
    %dma_start3A_53 = arith.constant 128 : i32
    %dma_start3A_54 = arith.constant 0 : i32
    %dma_start3A_55 = tpu.memref_slice %arg13[%dma_start3A_53, %dma_start3A_54] : memref<512x64xf32, #tpu.memory_space<vmem>> -> memref<128x64xf32, #tpu.memory_space<vmem>>
    %dma_start3A_56 = arith.constant 0 : i32
    %dma_start3A_57 = tpu.memref_slice %arg10[%dma_start3A_52, %dma_start3A_56] : memref<4x128xi32, #tpu.memory_space<vmem>> -> memref<1x128xi32, #tpu.memory_space<vmem>>
    %dma_start3A_58 = tpu.memref_squeeze %dma_start3A_57 : memref<1x128xi32, #tpu.memory_space<vmem>> -> memref<128xi32, #tpu.memory_space<vmem>>
    %dma_start3A_59 = arith.constant 0 : i32
    %dma_start3A_60 = arith.constant 0 : i32
    %dma_start3A_61 = tpu.memref_slice %arg5[%dma_start3A_59, %dma_start3A_60] : memref<1000000x64xf32, #tpu.memory_space<hbm>> -> memref<1000000x64xf32, #tpu.memory_space<hbm>>
    tpu.enqueue_indirect_dma source(%dma_start3A_61 : memref<1000000x64xf32, #tpu.memory_space<hbm>>) target(%dma_start3A_55 : memref<128x64xf32, #tpu.memory_space<vmem>>) offsets(%dma_start3A_58 : memref<128xi32, #tpu.memory_space<vmem>>) semaphore(%arg15 : memref<!tpu.dma_semaphore, #tpu.memory_space<semaphore_mem>>)
    %dma_start3A_62 = arith.constant 2 : i32
    %dma_start3A_63 = arith.constant 256 : i32
    %dma_start3A_64 = arith.constant 0 : i32
    %dma_start3A_65 = tpu.memref_slice %arg11[%dma_start3A_63, %dma_start3A_64] : memref<512x64xf32, #tpu.memory_space<vmem>> -> memref<128x64xf32, #tpu.memory_space<vmem>>
    %dma_start3A_66 = arith.constant 0 : i32
    %dma_start3A_67 = tpu.memref_slice %arg8[%dma_start3A_62, %dma_start3A_66] : memref<4x128xi32, #tpu.memory_space<vmem>> -> memref<1x128xi32, #tpu.memory_space<vmem>>
    %dma_start3A_68 = tpu.memref_squeeze %dma_start3A_67 : memref<1x128xi32, #tpu.memory_space<vmem>> -> memref<128xi32, #tpu.memory_space<vmem>>
    %dma_start3A_69 = arith.constant 0 : i32
    %dma_start3A_70 = arith.constant 0 : i32
    %dma_start3A_71 = tpu.memref_slice %arg5[%dma_start3A_69, %dma_start3A_70] : memref<1000000x64xf32, #tpu.memory_space<hbm>> -> memref<1000000x64xf32, #tpu.memory_space<hbm>>
    tpu.enqueue_indirect_dma source(%dma_start3A_71 : memref<1000000x64xf32, #tpu.memory_space<hbm>>) target(%dma_start3A_65 : memref<128x64xf32, #tpu.memory_space<vmem>>) offsets(%dma_start3A_68 : memref<128xi32, #tpu.memory_space<vmem>>) semaphore(%arg15 : memref<!tpu.dma_semaphore, #tpu.memory_space<semaphore_mem>>)
    %dma_start3A_72 = arith.constant 2 : i32
    %dma_start3A_73 = arith.constant 256 : i32
    %dma_start3A_74 = arith.constant 0 : i32
    %dma_start3A_75 = tpu.memref_slice %arg12[%dma_start3A_73, %dma_start3A_74] : memref<512x64xf32, #tpu.memory_space<vmem>> -> memref<128x64xf32, #tpu.memory_space<vmem>>
    %dma_start3A_76 = arith.constant 0 : i32
    %dma_start3A_77 = tpu.memref_slice %arg9[%dma_start3A_72, %dma_start3A_76] : memref<4x128xi32, #tpu.memory_space<vmem>> -> memref<1x128xi32, #tpu.memory_space<vmem>>
    %dma_start3A_78 = tpu.memref_squeeze %dma_start3A_77 : memref<1x128xi32, #tpu.memory_space<vmem>> -> memref<128xi32, #tpu.memory_space<vmem>>
    %dma_start3A_79 = arith.constant 0 : i32
    %dma_start3A_80 = arith.constant 0 : i32
    %dma_start3A_81 = tpu.memref_slice %arg6[%dma_start3A_79, %dma_start3A_80] : memref<1000x64xf32, #tpu.memory_space<hbm>> -> memref<1000x64xf32, #tpu.memory_space<hbm>>
    tpu.enqueue_indirect_dma source(%dma_start3A_81 : memref<1000x64xf32, #tpu.memory_space<hbm>>) target(%dma_start3A_75 : memref<128x64xf32, #tpu.memory_space<vmem>>) offsets(%dma_start3A_78 : memref<128xi32, #tpu.memory_space<vmem>>) semaphore(%arg15 : memref<!tpu.dma_semaphore, #tpu.memory_space<semaphore_mem>>)
    %dma_start3A_82 = arith.constant 2 : i32
    %dma_start3A_83 = arith.constant 256 : i32
    %dma_start3A_84 = arith.constant 0 : i32
    %dma_start3A_85 = tpu.memref_slice %arg13[%dma_start3A_83, %dma_start3A_84] : memref<512x64xf32, #tpu.memory_space<vmem>> -> memref<128x64xf32, #tpu.memory_space<vmem>>
    %dma_start3A_86 = arith.constant 0 : i32
    %dma_start3A_87 = tpu.memref_slice %arg10[%dma_start3A_82, %dma_start3A_86] : memref<4x128xi32, #tpu.memory_space<vmem>> -> memref<1x128xi32, #tpu.memory_space<vmem>>
    %dma_start3A_88 = tpu.memref_squeeze %dma_start3A_87 : memref<1x128xi32, #tpu.memory_space<vmem>> -> memref<128xi32, #tpu.memory_space<vmem>>
    %dma_start3A_89 = arith.constant 0 : i32
    %dma_start3A_90 = arith.constant 0 : i32
    %dma_start3A_91 = tpu.memref_slice %arg5[%dma_start3A_89, %dma_start3A_90] : memref<1000000x64xf32, #tpu.memory_space<hbm>> -> memref<1000000x64xf32, #tpu.memory_space<hbm>>
    tpu.enqueue_indirect_dma source(%dma_start3A_91 : memref<1000000x64xf32, #tpu.memory_space<hbm>>) target(%dma_start3A_85 : memref<128x64xf32, #tpu.memory_space<vmem>>) offsets(%dma_start3A_88 : memref<128xi32, #tpu.memory_space<vmem>>) semaphore(%arg15 : memref<!tpu.dma_semaphore, #tpu.memory_space<semaphore_mem>>)
    %dma_start3A_92 = arith.constant 3 : i32
    %dma_start3A_93 = arith.constant 384 : i32
    %dma_start3A_94 = arith.constant 0 : i32
    %dma_start3A_95 = tpu.memref_slice %arg11[%dma_start3A_93, %dma_start3A_94] : memref<512x64xf32, #tpu.memory_space<vmem>> -> memref<128x64xf32, #tpu.memory_space<vmem>>
    %dma_start3A_96 = arith.constant 0 : i32
    %dma_start3A_97 = tpu.memref_slice %arg8[%dma_start3A_92, %dma_start3A_96] : memref<4x128xi32, #tpu.memory_space<vmem>> -> memref<1x128xi32, #tpu.memory_space<vmem>>
    %dma_start3A_98 = tpu.memref_squeeze %dma_start3A_97 : memref<1x128xi32, #tpu.memory_space<vmem>> -> memref<128xi32, #tpu.memory_space<vmem>>
    %dma_start3A_99 = arith.constant 0 : i32
    %dma_start3A_100 = arith.constant 0 : i32
    %dma_start3A_101 = tpu.memref_slice %arg5[%dma_start3A_99, %dma_start3A_100] : memref<1000000x64xf32, #tpu.memory_space<hbm>> -> memref<1000000x64xf32, #tpu.memory_space<hbm>>
    tpu.enqueue_indirect_dma source(%dma_start3A_101 : memref<1000000x64xf32, #tpu.memory_space<hbm>>) target(%dma_start3A_95 : memref<128x64xf32, #tpu.memory_space<vmem>>) offsets(%dma_start3A_98 : memref<128xi32, #tpu.memory_space<vmem>>) semaphore(%arg15 : memref<!tpu.dma_semaphore, #tpu.memory_space<semaphore_mem>>)
    %dma_start3A_102 = arith.constant 3 : i32
    %dma_start3A_103 = arith.constant 384 : i32
    %dma_start3A_104 = arith.constant 0 : i32
    %dma_start3A_105 = tpu.memref_slice %arg12[%dma_start3A_103, %dma_start3A_104] : memref<512x64xf32, #tpu.memory_space<vmem>> -> memref<128x64xf32, #tpu.memory_space<vmem>>
    %dma_start3A_106 = arith.constant 0 : i32
    %dma_start3A_107 = tpu.memref_slice %arg9[%dma_start3A_102, %dma_start3A_106] : memref<4x128xi32, #tpu.memory_space<vmem>> -> memref<1x128xi32, #tpu.memory_space<vmem>>
    %dma_start3A_108 = tpu.memref_squeeze %dma_start3A_107 : memref<1x128xi32, #tpu.memory_space<vmem>> -> memref<128xi32, #tpu.memory_space<vmem>>
    %dma_start3A_109 = arith.constant 0 : i32
    %dma_start3A_110 = arith.constant 0 : i32
    %dma_start3A_111 = tpu.memref_slice %arg6[%dma_start3A_109, %dma_start3A_110] : memref<1000x64xf32, #tpu.memory_space<hbm>> -> memref<1000x64xf32, #tpu.memory_space<hbm>>
    tpu.enqueue_indirect_dma source(%dma_start3A_111 : memref<1000x64xf32, #tpu.memory_space<hbm>>) target(%dma_start3A_105 : memref<128x64xf32, #tpu.memory_space<vmem>>) offsets(%dma_start3A_108 : memref<128xi32, #tpu.memory_space<vmem>>) semaphore(%arg15 : memref<!tpu.dma_semaphore, #tpu.memory_space<semaphore_mem>>)
    %dma_start3A_112 = arith.constant 3 : i32
    %dma_start3A_113 = arith.constant 384 : i32
    %dma_start3A_114 = arith.constant 0 : i32
    %dma_start3A_115 = tpu.memref_slice %arg13[%dma_start3A_113, %dma_start3A_114] : memref<512x64xf32, #tpu.memory_space<vmem>> -> memref<128x64xf32, #tpu.memory_space<vmem>>
    %dma_start3A_116 = arith.constant 0 : i32
    %dma_start3A_117 = tpu.memref_slice %arg10[%dma_start3A_112, %dma_start3A_116] : memref<4x128xi32, #tpu.memory_space<vmem>> -> memref<1x128xi32, #tpu.memory_space<vmem>>
    %dma_start3A_118 = tpu.memref_squeeze %dma_start3A_117 : memref<1x128xi32, #tpu.memory_space<vmem>> -> memref<128xi32, #tpu.memory_space<vmem>>
    %dma_start3A_119 = arith.constant 0 : i32
    %dma_start3A_120 = arith.constant 0 : i32
    %dma_start3A_121 = tpu.memref_slice %arg5[%dma_start3A_119, %dma_start3A_120] : memref<1000000x64xf32, #tpu.memory_space<hbm>> -> memref<1000000x64xf32, #tpu.memory_space<hbm>>
    tpu.enqueue_indirect_dma source(%dma_start3A_121 : memref<1000000x64xf32, #tpu.memory_space<hbm>>) target(%dma_start3A_115 : memref<128x64xf32, #tpu.memory_space<vmem>>) offsets(%dma_start3A_118 : memref<128xi32, #tpu.memory_space<vmem>>) semaphore(%arg15 : memref<!tpu.dma_semaphore, #tpu.memory_space<semaphore_mem>>)
    %dma_wait3A = arith.constant 0 : i32
    %dma_wait3A_122 = arith.constant 0 : i32
    %dma_wait3A_123 = arith.constant 0 : i32
    %dma_wait3A_124 = tpu.memref_slice %arg11[%dma_wait3A_122, %dma_wait3A_123] : memref<512x64xf32, #tpu.memory_space<vmem>> -> memref<128x64xf32, #tpu.memory_space<vmem>>
    %dma_wait3A_125 = arith.constant 0 : i32
    %dma_wait3A_126 = tpu.memref_slice %arg8[%dma_wait3A, %dma_wait3A_125] : memref<4x128xi32, #tpu.memory_space<vmem>> -> memref<1x128xi32, #tpu.memory_space<vmem>>
    %dma_wait3A_127 = tpu.memref_squeeze %dma_wait3A_126 : memref<1x128xi32, #tpu.memory_space<vmem>> -> memref<128xi32, #tpu.memory_space<vmem>>
    %dma_wait3A_128 = arith.constant 0 : i32
    %dma_wait3A_129 = arith.constant 0 : i32
    %dma_wait3A_130 = tpu.memref_slice %arg5[%dma_wait3A_128, %dma_wait3A_129] : memref<1000000x64xf32, #tpu.memory_space<hbm>> -> memref<1000000x64xf32, #tpu.memory_space<hbm>>
    tpu.wait_indirect_dma semaphore(%arg15 : memref<!tpu.dma_semaphore, #tpu.memory_space<semaphore_mem>>) src(%dma_wait3A_130 : memref<1000000x64xf32, #tpu.memory_space<hbm>>) dst(%dma_wait3A_124 : memref<128x64xf32, #tpu.memory_space<vmem>>)
    %dma_wait3A_131 = arith.constant 0 : i32
    %dma_wait3A_132 = arith.constant 0 : i32
    %dma_wait3A_133 = arith.constant 0 : i32
    %dma_wait3A_134 = tpu.memref_slice %arg12[%dma_wait3A_132, %dma_wait3A_133] : memref<512x64xf32, #tpu.memory_space<vmem>> -> memref<128x64xf32, #tpu.memory_space<vmem>>
    %dma_wait3A_135 = arith.constant 0 : i32
    %dma_wait3A_136 = tpu.memref_slice %arg9[%dma_wait3A_131, %dma_wait3A_135] : memref<4x128xi32, #tpu.memory_space<vmem>> -> memref<1x128xi32, #tpu.memory_space<vmem>>
    %dma_wait3A_137 = tpu.memref_squeeze %dma_wait3A_136 : memref<1x128xi32, #tpu.memory_space<vmem>> -> memref<128xi32, #tpu.memory_space<vmem>>
    %dma_wait3A_138 = arith.constant 0 : i32
    %dma_wait3A_139 = arith.constant 0 : i32
    %dma_wait3A_140 = tpu.memref_slice %arg6[%dma_wait3A_138, %dma_wait3A_139] : memref<1000x64xf32, #tpu.memory_space<hbm>> -> memref<1000x64xf32, #tpu.memory_space<hbm>>
    tpu.wait_indirect_dma semaphore(%arg15 : memref<!tpu.dma_semaphore, #tpu.memory_space<semaphore_mem>>) src(%dma_wait3A_140 : memref<1000x64xf32, #tpu.memory_space<hbm>>) dst(%dma_wait3A_134 : memref<128x64xf32, #tpu.memory_space<vmem>>)
    %dma_wait3A_141 = arith.constant 0 : i32
    %dma_wait3A_142 = arith.constant 0 : i32
    %dma_wait3A_143 = arith.constant 0 : i32
    %dma_wait3A_144 = tpu.memref_slice %arg13[%dma_wait3A_142, %dma_wait3A_143] : memref<512x64xf32, #tpu.memory_space<vmem>> -> memref<128x64xf32, #tpu.memory_space<vmem>>
    %dma_wait3A_145 = arith.constant 0 : i32
    %dma_wait3A_146 = tpu.memref_slice %arg10[%dma_wait3A_141, %dma_wait3A_145] : memref<4x128xi32, #tpu.memory_space<vmem>> -> memref<1x128xi32, #tpu.memory_space<vmem>>
    %dma_wait3A_147 = tpu.memref_squeeze %dma_wait3A_146 : memref<1x128xi32, #tpu.memory_space<vmem>> -> memref<128xi32, #tpu.memory_space<vmem>>
    %dma_wait3A_148 = arith.constant 0 : i32
    %dma_wait3A_149 = arith.constant 0 : i32
    %dma_wait3A_150 = tpu.memref_slice %arg5[%dma_wait3A_148, %dma_wait3A_149] : memref<1000000x64xf32, #tpu.memory_space<hbm>> -> memref<1000000x64xf32, #tpu.memory_space<hbm>>
    tpu.wait_indirect_dma semaphore(%arg15 : memref<!tpu.dma_semaphore, #tpu.memory_space<semaphore_mem>>) src(%dma_wait3A_150 : memref<1000000x64xf32, #tpu.memory_space<hbm>>) dst(%dma_wait3A_144 : memref<128x64xf32, #tpu.memory_space<vmem>>)
    %dma_wait3A_151 = arith.constant 1 : i32
    %dma_wait3A_152 = arith.constant 128 : i32
    %dma_wait3A_153 = arith.constant 0 : i32
    %dma_wait3A_154 = tpu.memref_slice %arg11[%dma_wait3A_152, %dma_wait3A_153] : memref<512x64xf32, #tpu.memory_space<vmem>> -> memref<128x64xf32, #tpu.memory_space<vmem>>
    %dma_wait3A_155 = arith.constant 0 : i32
    %dma_wait3A_156 = tpu.memref_slice %arg8[%dma_wait3A_151, %dma_wait3A_155] : memref<4x128xi32, #tpu.memory_space<vmem>> -> memref<1x128xi32, #tpu.memory_space<vmem>>
    %dma_wait3A_157 = tpu.memref_squeeze %dma_wait3A_156 : memref<1x128xi32, #tpu.memory_space<vmem>> -> memref<128xi32, #tpu.memory_space<vmem>>
    %dma_wait3A_158 = arith.constant 0 : i32
    %dma_wait3A_159 = arith.constant 0 : i32
    %dma_wait3A_160 = tpu.memref_slice %arg5[%dma_wait3A_158, %dma_wait3A_159] : memref<1000000x64xf32, #tpu.memory_space<hbm>> -> memref<1000000x64xf32, #tpu.memory_space<hbm>>
    tpu.wait_indirect_dma semaphore(%arg15 : memref<!tpu.dma_semaphore, #tpu.memory_space<semaphore_mem>>) src(%dma_wait3A_160 : memref<1000000x64xf32, #tpu.memory_space<hbm>>) dst(%dma_wait3A_154 : memref<128x64xf32, #tpu.memory_space<vmem>>)
    %dma_wait3A_161 = arith.constant 1 : i32
    %dma_wait3A_162 = arith.constant 128 : i32
    %dma_wait3A_163 = arith.constant 0 : i32
    %dma_wait3A_164 = tpu.memref_slice %arg12[%dma_wait3A_162, %dma_wait3A_163] : memref<512x64xf32, #tpu.memory_space<vmem>> -> memref<128x64xf32, #tpu.memory_space<vmem>>
    %dma_wait3A_165 = arith.constant 0 : i32
    %dma_wait3A_166 = tpu.memref_slice %arg9[%dma_wait3A_161, %dma_wait3A_165] : memref<4x128xi32, #tpu.memory_space<vmem>> -> memref<1x128xi32, #tpu.memory_space<vmem>>
    %dma_wait3A_167 = tpu.memref_squeeze %dma_wait3A_166 : memref<1x128xi32, #tpu.memory_space<vmem>> -> memref<128xi32, #tpu.memory_space<vmem>>
    %dma_wait3A_168 = arith.constant 0 : i32
    %dma_wait3A_169 = arith.constant 0 : i32
    %dma_wait3A_170 = tpu.memref_slice %arg6[%dma_wait3A_168, %dma_wait3A_169] : memref<1000x64xf32, #tpu.memory_space<hbm>> -> memref<1000x64xf32, #tpu.memory_space<hbm>>
    tpu.wait_indirect_dma semaphore(%arg15 : memref<!tpu.dma_semaphore, #tpu.memory_space<semaphore_mem>>) src(%dma_wait3A_170 : memref<1000x64xf32, #tpu.memory_space<hbm>>) dst(%dma_wait3A_164 : memref<128x64xf32, #tpu.memory_space<vmem>>)
    %dma_wait3A_171 = arith.constant 1 : i32
    %dma_wait3A_172 = arith.constant 128 : i32
    %dma_wait3A_173 = arith.constant 0 : i32
    %dma_wait3A_174 = tpu.memref_slice %arg13[%dma_wait3A_172, %dma_wait3A_173] : memref<512x64xf32, #tpu.memory_space<vmem>> -> memref<128x64xf32, #tpu.memory_space<vmem>>
    %dma_wait3A_175 = arith.constant 0 : i32
    %dma_wait3A_176 = tpu.memref_slice %arg10[%dma_wait3A_171, %dma_wait3A_175] : memref<4x128xi32, #tpu.memory_space<vmem>> -> memref<1x128xi32, #tpu.memory_space<vmem>>
    %dma_wait3A_177 = tpu.memref_squeeze %dma_wait3A_176 : memref<1x128xi32, #tpu.memory_space<vmem>> -> memref<128xi32, #tpu.memory_space<vmem>>
    %dma_wait3A_178 = arith.constant 0 : i32
    %dma_wait3A_179 = arith.constant 0 : i32
    %dma_wait3A_180 = tpu.memref_slice %arg5[%dma_wait3A_178, %dma_wait3A_179] : memref<1000000x64xf32, #tpu.memory_space<hbm>> -> memref<1000000x64xf32, #tpu.memory_space<hbm>>
    tpu.wait_indirect_dma semaphore(%arg15 : memref<!tpu.dma_semaphore, #tpu.memory_space<semaphore_mem>>) src(%dma_wait3A_180 : memref<1000000x64xf32, #tpu.memory_space<hbm>>) dst(%dma_wait3A_174 : memref<128x64xf32, #tpu.memory_space<vmem>>)
    %dma_wait3A_181 = arith.constant 2 : i32
    %dma_wait3A_182 = arith.constant 256 : i32
    %dma_wait3A_183 = arith.constant 0 : i32
    %dma_wait3A_184 = tpu.memref_slice %arg11[%dma_wait3A_182, %dma_wait3A_183] : memref<512x64xf32, #tpu.memory_space<vmem>> -> memref<128x64xf32, #tpu.memory_space<vmem>>
    %dma_wait3A_185 = arith.constant 0 : i32
    %dma_wait3A_186 = tpu.memref_slice %arg8[%dma_wait3A_181, %dma_wait3A_185] : memref<4x128xi32, #tpu.memory_space<vmem>> -> memref<1x128xi32, #tpu.memory_space<vmem>>
    %dma_wait3A_187 = tpu.memref_squeeze %dma_wait3A_186 : memref<1x128xi32, #tpu.memory_space<vmem>> -> memref<128xi32, #tpu.memory_space<vmem>>
    %dma_wait3A_188 = arith.constant 0 : i32
    %dma_wait3A_189 = arith.constant 0 : i32
    %dma_wait3A_190 = tpu.memref_slice %arg5[%dma_wait3A_188, %dma_wait3A_189] : memref<1000000x64xf32, #tpu.memory_space<hbm>> -> memref<1000000x64xf32, #tpu.memory_space<hbm>>
    tpu.wait_indirect_dma semaphore(%arg15 : memref<!tpu.dma_semaphore, #tpu.memory_space<semaphore_mem>>) src(%dma_wait3A_190 : memref<1000000x64xf32, #tpu.memory_space<hbm>>) dst(%dma_wait3A_184 : memref<128x64xf32, #tpu.memory_space<vmem>>)
    %dma_wait3A_191 = arith.constant 2 : i32
    %dma_wait3A_192 = arith.constant 256 : i32
    %dma_wait3A_193 = arith.constant 0 : i32
    %dma_wait3A_194 = tpu.memref_slice %arg12[%dma_wait3A_192, %dma_wait3A_193] : memref<512x64xf32, #tpu.memory_space<vmem>> -> memref<128x64xf32, #tpu.memory_space<vmem>>
    %dma_wait3A_195 = arith.constant 0 : i32
    %dma_wait3A_196 = tpu.memref_slice %arg9[%dma_wait3A_191, %dma_wait3A_195] : memref<4x128xi32, #tpu.memory_space<vmem>> -> memref<1x128xi32, #tpu.memory_space<vmem>>
    %dma_wait3A_197 = tpu.memref_squeeze %dma_wait3A_196 : memref<1x128xi32, #tpu.memory_space<vmem>> -> memref<128xi32, #tpu.memory_space<vmem>>
    %dma_wait3A_198 = arith.constant 0 : i32
    %dma_wait3A_199 = arith.constant 0 : i32
    %dma_wait3A_200 = tpu.memref_slice %arg6[%dma_wait3A_198, %dma_wait3A_199] : memref<1000x64xf32, #tpu.memory_space<hbm>> -> memref<1000x64xf32, #tpu.memory_space<hbm>>
    tpu.wait_indirect_dma semaphore(%arg15 : memref<!tpu.dma_semaphore, #tpu.memory_space<semaphore_mem>>) src(%dma_wait3A_200 : memref<1000x64xf32, #tpu.memory_space<hbm>>) dst(%dma_wait3A_194 : memref<128x64xf32, #tpu.memory_space<vmem>>)
    %dma_wait3A_201 = arith.constant 2 : i32
    %dma_wait3A_202 = arith.constant 256 : i32
    %dma_wait3A_203 = arith.constant 0 : i32
    %dma_wait3A_204 = tpu.memref_slice %arg13[%dma_wait3A_202, %dma_wait3A_203] : memref<512x64xf32, #tpu.memory_space<vmem>> -> memref<128x64xf32, #tpu.memory_space<vmem>>
    %dma_wait3A_205 = arith.constant 0 : i32
    %dma_wait3A_206 = tpu.memref_slice %arg10[%dma_wait3A_201, %dma_wait3A_205] : memref<4x128xi32, #tpu.memory_space<vmem>> -> memref<1x128xi32, #tpu.memory_space<vmem>>
    %dma_wait3A_207 = tpu.memref_squeeze %dma_wait3A_206 : memref<1x128xi32, #tpu.memory_space<vmem>> -> memref<128xi32, #tpu.memory_space<vmem>>
    %dma_wait3A_208 = arith.constant 0 : i32
    %dma_wait3A_209 = arith.constant 0 : i32
    %dma_wait3A_210 = tpu.memref_slice %arg5[%dma_wait3A_208, %dma_wait3A_209] : memref<1000000x64xf32, #tpu.memory_space<hbm>> -> memref<1000000x64xf32, #tpu.memory_space<hbm>>
    tpu.wait_indirect_dma semaphore(%arg15 : memref<!tpu.dma_semaphore, #tpu.memory_space<semaphore_mem>>) src(%dma_wait3A_210 : memref<1000000x64xf32, #tpu.memory_space<hbm>>) dst(%dma_wait3A_204 : memref<128x64xf32, #tpu.memory_space<vmem>>)
    %dma_wait3A_211 = arith.constant 3 : i32
    %dma_wait3A_212 = arith.constant 384 : i32
    %dma_wait3A_213 = arith.constant 0 : i32
    %dma_wait3A_214 = tpu.memref_slice %arg11[%dma_wait3A_212, %dma_wait3A_213] : memref<512x64xf32, #tpu.memory_space<vmem>> -> memref<128x64xf32, #tpu.memory_space<vmem>>
    %dma_wait3A_215 = arith.constant 0 : i32
    %dma_wait3A_216 = tpu.memref_slice %arg8[%dma_wait3A_211, %dma_wait3A_215] : memref<4x128xi32, #tpu.memory_space<vmem>> -> memref<1x128xi32, #tpu.memory_space<vmem>>
    %dma_wait3A_217 = tpu.memref_squeeze %dma_wait3A_216 : memref<1x128xi32, #tpu.memory_space<vmem>> -> memref<128xi32, #tpu.memory_space<vmem>>
    %dma_wait3A_218 = arith.constant 0 : i32
    %dma_wait3A_219 = arith.constant 0 : i32
    %dma_wait3A_220 = tpu.memref_slice %arg5[%dma_wait3A_218, %dma_wait3A_219] : memref<1000000x64xf32, #tpu.memory_space<hbm>> -> memref<1000000x64xf32, #tpu.memory_space<hbm>>
    tpu.wait_indirect_dma semaphore(%arg15 : memref<!tpu.dma_semaphore, #tpu.memory_space<semaphore_mem>>) src(%dma_wait3A_220 : memref<1000000x64xf32, #tpu.memory_space<hbm>>) dst(%dma_wait3A_214 : memref<128x64xf32, #tpu.memory_space<vmem>>)
    %dma_wait3A_221 = arith.constant 3 : i32
    %dma_wait3A_222 = arith.constant 384 : i32
    %dma_wait3A_223 = arith.constant 0 : i32
    %dma_wait3A_224 = tpu.memref_slice %arg12[%dma_wait3A_222, %dma_wait3A_223] : memref<512x64xf32, #tpu.memory_space<vmem>> -> memref<128x64xf32, #tpu.memory_space<vmem>>
    %dma_wait3A_225 = arith.constant 0 : i32
    %dma_wait3A_226 = tpu.memref_slice %arg9[%dma_wait3A_221, %dma_wait3A_225] : memref<4x128xi32, #tpu.memory_space<vmem>> -> memref<1x128xi32, #tpu.memory_space<vmem>>
    %dma_wait3A_227 = tpu.memref_squeeze %dma_wait3A_226 : memref<1x128xi32, #tpu.memory_space<vmem>> -> memref<128xi32, #tpu.memory_space<vmem>>
    %dma_wait3A_228 = arith.constant 0 : i32
    %dma_wait3A_229 = arith.constant 0 : i32
    %dma_wait3A_230 = tpu.memref_slice %arg6[%dma_wait3A_228, %dma_wait3A_229] : memref<1000x64xf32, #tpu.memory_space<hbm>> -> memref<1000x64xf32, #tpu.memory_space<hbm>>
    tpu.wait_indirect_dma semaphore(%arg15 : memref<!tpu.dma_semaphore, #tpu.memory_space<semaphore_mem>>) src(%dma_wait3A_230 : memref<1000x64xf32, #tpu.memory_space<hbm>>) dst(%dma_wait3A_224 : memref<128x64xf32, #tpu.memory_space<vmem>>)
    %dma_wait3A_231 = arith.constant 3 : i32
    %dma_wait3A_232 = arith.constant 384 : i32
    %dma_wait3A_233 = arith.constant 0 : i32
    %dma_wait3A_234 = tpu.memref_slice %arg13[%dma_wait3A_232, %dma_wait3A_233] : memref<512x64xf32, #tpu.memory_space<vmem>> -> memref<128x64xf32, #tpu.memory_space<vmem>>
    %dma_wait3A_235 = arith.constant 0 : i32
    %dma_wait3A_236 = tpu.memref_slice %arg10[%dma_wait3A_231, %dma_wait3A_235] : memref<4x128xi32, #tpu.memory_space<vmem>> -> memref<1x128xi32, #tpu.memory_space<vmem>>
    %dma_wait3A_237 = tpu.memref_squeeze %dma_wait3A_236 : memref<1x128xi32, #tpu.memory_space<vmem>> -> memref<128xi32, #tpu.memory_space<vmem>>
    %dma_wait3A_238 = arith.constant 0 : i32
    %dma_wait3A_239 = arith.constant 0 : i32
    %dma_wait3A_240 = tpu.memref_slice %arg5[%dma_wait3A_238, %dma_wait3A_239] : memref<1000000x64xf32, #tpu.memory_space<hbm>> -> memref<1000000x64xf32, #tpu.memory_space<hbm>>
    tpu.wait_indirect_dma semaphore(%arg15 : memref<!tpu.dma_semaphore, #tpu.memory_space<semaphore_mem>>) src(%dma_wait3A_240 : memref<1000000x64xf32, #tpu.memory_space<hbm>>) dst(%dma_wait3A_234 : memref<128x64xf32, #tpu.memory_space<vmem>>)
    %iota3A = tpu.iota {dimensions = array<i32: 0>} : vector<16xi32>
    %scan3A = arith.constant 0 : i32
    %scan3A_241 = arith.constant 0 : i32
    %scan3A_242 = arith.constant 32 : i32
    %scan3A_243 = arith.addi %scan3A_241, %scan3A_242 : i32
    %scan3A_244 = arith.constant 1 : i32
    %scan3A_245 = scf.for %scan3A_247 = %scan3A_241 to %scan3A_243 step %scan3A_244 iter_args(%scan3A_248 = %scan3A) -> (i32)  : i32 {
      %mul3A_249 = arith.constant 16 : i32
      %mul3A_250 = arith.muli %scan3A_247, %mul3A_249 : i32
      %add3A_251 = vector.broadcast %mul3A_250 : i32 to vector<16xi32>
      %add3A_252 = arith.addi %add3A_251, %iota3A : vector<16xi32>
      %broadcast_in_dim3A = arith.constant 0.000000e+00 : f32
      %broadcast_in_dim3A_253 = vector.broadcast %broadcast_in_dim3A : f32 to vector<16xf32>
      %scan3A_254 = arith.constant 0 : i32
      %scan3A_255 = arith.constant 64 : i32
      %scan3A_256 = arith.addi %scan3A_254, %scan3A_255 : i32
      %scan3A_257 = arith.constant 1 : i32
      %scan3A_258 = scf.for %scan3A_264 = %scan3A_254 to %scan3A_256 step %scan3A_257 iter_args(%scan3A_265 = %broadcast_in_dim3A_253) -> (vector<16xf32>)  : i32 {
        %broadcast_in_dim3A_266 = arith.constant 0 : i32
        %broadcast_in_dim3A_267 = vector.broadcast %broadcast_in_dim3A_266 : i32 to vector<16xi32>
        %add3A_268 = vector.broadcast %scan3A_264 : i32 to vector<16xi32>
        %add3A_269 = arith.addi %broadcast_in_dim3A_267, %add3A_268 : vector<16xi32>
        %gather3A = tpu.vector_load_idx %arg11[%add3A_252, %add3A_269] : memref<512x64xf32, #tpu.memory_space<vmem>>[vector<16xi32>, vector<16xi32>], vector<16xf32>,
        %gather3A_270 = tpu.vector_load_idx %arg12[%add3A_252, %add3A_269] : memref<512x64xf32, #tpu.memory_space<vmem>>[vector<16xi32>, vector<16xi32>], vector<16xf32>,
        %gather3A_271 = tpu.vector_load_idx %arg13[%add3A_252, %add3A_269] : memref<512x64xf32, #tpu.memory_space<vmem>>[vector<16xi32>, vector<16xi32>], vector<16xf32>,
        %add3A_272 = arith.addf %gather3A, %gather3A_270 : vector<16xf32>
        %sub3A = arith.subf %add3A_272, %gather3A_271 : vector<16xf32>
        %abs3A = math.absf %sub3A : vector<16xf32>
        %add3A_273 = arith.addf %scan3A_265, %abs3A : vector<16xf32>
        scf.yield %add3A_273 : vector<16xf32>
      }
      %scan3A_259 = arith.constant 64 : i32
      %mul3A_260 = arith.constant 16 : i32
      %mul3A_261 = arith.muli %scan3A_247, %mul3A_260 : i32
      %swap3A = arith.index_cast %mul3A_261 : i32 to index
      %swap3A_262 = tpu.vector_load %arg14[%swap3A] {strides = array<i32>} : memref<512xf32, #tpu.memory_space<vmem>>, vector<16xf32>,
      tpu.vector_store %arg14[%swap3A], %scan3A_258 {strides = array<i32>} : memref<512xf32, #tpu.memory_space<vmem>>, vector<16xf32>,
      %scan3A_263 = arith.constant 0 : i32
      scf.yield %scan3A_263 : i32
    }
    %scan3A_246 = arith.constant 32 : i32
    "tpu.region"() ({
      %run_scoped3A = tpu.sem_alloc : memref<!tpu.dma_semaphore, #tpu.memory_space<semaphore_mem>>
      %dma_start3A_247 = tpu.memref_slice %arg7[%mul3A_2] : memref<16384xf32, #tpu.memory_space<hbm>> -> memref<512xf32, #tpu.memory_space<hbm>>
      %dma_start3A_248 = tpu.memref_slice %arg7[%mul3A_2] : memref<16384xf32, #tpu.memory_space<hbm>> -> memref<512xf32, #tpu.memory_space<hbm>>
      tpu.enqueue_dma source(%arg14 : memref<512xf32, #tpu.memory_space<vmem>>) target(%dma_start3A_248 : memref<512xf32, #tpu.memory_space<hbm>>) target_semaphore(%run_scoped3A : memref<!tpu.dma_semaphore, #tpu.memory_space<semaphore_mem>>)
      %dma_wait3A_249 = tpu.memref_slice %arg7[%mul3A_2] : memref<16384xf32, #tpu.memory_space<hbm>> -> memref<512xf32, #tpu.memory_space<hbm>>
      %dma_wait3A_250 = tpu.memref_slice %arg7[%mul3A_2] : memref<16384xf32, #tpu.memory_space<hbm>> -> memref<512xf32, #tpu.memory_space<hbm>>
      tpu.wait_dma2 semaphore(%run_scoped3A : memref<!tpu.dma_semaphore, #tpu.memory_space<semaphore_mem>>) src(%arg14 : memref<512xf32, #tpu.memory_space<vmem>>) dst(%dma_wait3A_250 : memref<512xf32, #tpu.memory_space<hbm>>)
      tpu.yield
    }) : () -> ()
    return
  }
}

</mosaic_0001>

<sc_bundles>
// kernel: kernel.3.cloned.1.call-start
scs
__scs_entry_jumppad:
0x0: {  	(pc) =	sbr.rel $0x88, $3  }
0x1: {  	(tag) =	ssettag $0x0;
	lr =	simm.s32 $0x1  }
0x2: {  	[smem:$0x3F9C] =	sst lr;
	_ =	strace $0xD0000000  }
0x3: {  	_ = 	snop  }
0x4: {  	_ = 	snop  }
0x5: {  	_ = 	snop  }
0x6: {  	_ = 	snop  }
0x7: {  	_ = 	snop  }
__scs_overlays_trampoline_lowered:
0x8: {  	[smem:$0x3FAB] =	sst s0  }
0x9: {  	[smem:$0x3FAC] =	sst s1  }
0xa: {  	[smem:$0x3FAD] =	sst s2  }
0xb: {  	[smem:$0x3FAE] =	sst s3  }
0xc: {  	[smem:$0x3FAF] =	sst s4  }
0xd: {  	[smem:$0x3FB0] =	sst s5  }
0xe: {  	[smem:$0x3FB1] =	sst s6  }
0xf: {  	[smem:$0x3FB2] =	sst s7  }
0x10: {  	[smem:$0x3FB3] =	sst s8  }
0x11: {  	[smem:$0x3FB4] =	sst s9;
	s0 =	simm.s32 @!p0 $0x0  }
0x12: {  	s1 =	sld [smem:$0x3F9A];
	s0 =	simm.s32 @p0 $0x1  }
0x13: {  	[smem:$0x3FB5] =	sst s0;
	s0 =	simm.s32 @!p1 $0x0  }
0x14: {  	s2 =	sld [smem:$0x3F99];
	s0 =	simm.s32 @p1 $0x1  }
0x15: {  	[smem:$0x3FB6] =	sst s0;
	s0 =	simm.s32 @!p2 $0x0  }
0x16: {  	s3 =	sld [smem:$0x3FDB];
	s0 =	simm.s32 @p2 $0x1  }
0x17: {  	s4 =	simm.s32 $0x1BF5;
	[smem:$0x3FB8] =	sst s0  }
0x18: {  	s0 =	sld [smem:$0x3F9B];
	_ =	swait.ge [sflag:s4], $0x0  }
0x19: {  	s7 =	sld [smem:$0x3F9C]  }
0x1a: {  	s8 =	sadd.s32 $0xFFFFE003, lr  }
0x1b: {  	s9 =	sadd.s32 $0xFFFFFEF7, lr;
	s5 =	simm.s32 $0xFFFFFFFF;
	p2 =	slt.u32 s8, $0xFFFFF086  }
0x1c: {  	p1 =	slt.u32 s9, $0xF7A;
	s5 =	simm.s32 @!p2 $0x0  }
0x1d: {  	s5 =	simm.s32 @p1 $0x1;
	p0 =	seq.s32 s7, s2  }
0x1e: {  	s7 =	smul.u32 @!p0 $0xF7A, s2;
	p2 =	seq.s32 @!p0 s5, $0x0  }
0x1f: {  	s9 =	smul.u32 $0xF7A, s1;
	s8 =	simm.s32 @!p0 $0x1BF5;
	p2 =	por !p2, p0  }
0x20: {  	[sflag:s8] =	ssyncset.s32 @!p0 $0xFFFFF086;
	s6 =	sadd.s32 @!p0 s3, s7;
	s7 =	simm.s32 @!p0 $0x108  }
0x21: {  	s3 =	sadd.s32 s3, s9;
	s6 =	sadd.s32 @!p0 $0x88, s6;
	s7 =	simm.s32 @p2 $0x1082  }
0x22: {  	[simem:s7], [sflag:s8] =	dma.local @!p0 [hbm:s6], $0xF7A  }
0x23: {  	s9 =	sor.u32 $0xD0000000, s2;
	s6 =	simm.s32 $0x108;
	_ =	swait.ge @!p0 [sflag:s8], $0x0  }
0x24: {  	s3 =	sadd.s32 $0x88, s3;
	s6 =	simm.s32 @!p1 $0x1082;
	[sflag:s4] =	ssyncset.s32 $0xFFFFF086  }
0x25: {  	[simem:s6], [sflag:s4] =	dma.local [hbm:s3], $0xF7A  }
0x26: {  	[smem:$0x3F9C] =	sst s1;
	(tag) =	ssettag s2;
	_ =	strace s9  }
0x27: {  	s1 =	sld [smem:$0x3FAC]  }
0x28: {  	s2 =	sld [smem:$0x3FAD]  }
0x29: {  	s4 =	sld [smem:$0x3FAF]  }
0x2a: {  	p0 =	seq.s32 s5, $0x0;
	s5 =	sld [smem:$0x3FB0]  }
0x2b: {  	s6 =	sld [smem:$0x3FB1]  }
0x2c: {  	s7 =	sld [smem:$0x3FB2]  }
0x2d: {  	s3 =	simm.s32 $0x108;
	s8 =	sld [smem:$0x3FB3]  }
0x2e: {  	s3 =	simm.s32 @!p0 $0x1082;
	s9 =	sld [smem:$0x3FB4]  }
0x2f: {  	lr =	sadd.s32 s0, s3;
	s0 =	sld [smem:$0x3FAB]  }
0x30: {  	s3 =	sld [smem:$0x3FAE]  }
0x31: {  	[smem:$0x3FB7] =	sst s10  }
0x32: {  	s10 =	sld [smem:$0x3FB5];
	_ =	sdelay $0x3  }
0x33: {  	p0 =	seq.s32 s10, $0x1;
	s10 =	sld [smem:$0x3FB7];
	_ =	sdelay $0x3  }
0x34: {  	[smem:$0x3FB7] =	sst s10  }
0x35: {  	s10 =	sld [smem:$0x3FB6];
	_ =	sdelay $0x3  }
0x36: {  	p1 =	seq.s32 s10, $0x1;
	s10 =	sld [smem:$0x3FB7];
	_ =	sdelay $0x3  }
0x37: {  	[smem:$0x3FB7] =	sst s10  }
0x38: {  	s10 =	sld [smem:$0x3FB8]  }
0x39: {  	_ = 	snop;
	(pc) =	sbr.ind lr, $3  }
0x3a: {  	_ = 	snop  }
0x3b: {  	_ = 	snop  }
0x3c: {  	p2 =	seq.s32 s10, $0x1;
	s10 =	sld [smem:$0x3FB7]  }
0x3d: {  	_ =	shalt  }
0x3e: {  	_ =	shalt  }
0x3f: {  	_ =	shalt  }
0x40: {  	_ =	shalt  }
0x41: {  	_ =	shalt  }
0x42: {  	_ =	shalt  }
0x43: {  	_ =	shalt  }
0x44: {  	_ =	shalt  }
0x45: {  	_ =	shalt  }
0x46: {  	_ =	shalt  }
0x47: {  	_ =	shalt  }
0x48: {  	_ =	shalt  }
0x49: {  	_ =	shalt  }
0x4a: {  	_ =	shalt  }
0x4b: {  	_ =	shalt  }
0x4c: {  	_ =	shalt  }
0x4d: {  	_ =	shalt  }
0x4e: {  	_ =	shalt  }
0x4f: {  	_ =	shalt  }
0x50: {  	_ =	shalt  }
0x51: {  	_ =	shalt  }
0x52: {  	_ =	shalt  }
0x53: {  	_ =	shalt  }
0x54: {  	_ =	shalt  }
0x55: {  	_ =	shalt  }
0x56: {  	_ =	shalt  }
0x57: {  	_ =	shalt  }
0x58: {  	_ =	shalt  }
0x59: {  	_ =	shalt  }
0x5a: {  	_ =	shalt  }
0x5b: {  	_ =	shalt  }
0x5c: {  	_ =	shalt  }
0x5d: {  	_ =	shalt  }
0x5e: {  	_ =	shalt  }
0x5f: {  	_ =	shalt  }
0x60: {  	_ =	shalt  }
0x61: {  	_ =	shalt  }
0x62: {  	_ =	shalt  }
0x63: {  	_ =	shalt  }
0x64: {  	_ =	shalt  }
0x65: {  	_ =	shalt  }
0x66: {  	_ =	shalt  }
0x67: {  	_ =	shalt  }
0x68: {  	_ =	shalt  }
0x69: {  	_ =	shalt  }
0x6a: {  	_ =	shalt  }
0x6b: {  	_ =	shalt  }
0x6c: {  	_ =	shalt  }
0x6d: {  	_ =	shalt  }
0x6e: {  	_ =	shalt  }
0x6f: {  	_ =	shalt  }
0x70: {  	_ =	shalt  }
0x71: {  	_ =	shalt  }
0x72: {  	_ =	shalt  }
0x73: {  	_ =	shalt  }
0x74: {  	_ =	shalt  }
0x75: {  	_ =	shalt  }
0x76: {  	_ =	shalt  }
0x77: {  	_ =	shalt  }
0x78: {  	_ =	shalt  }
0x79: {  	_ =	shalt  }
0x7a: {  	_ =	shalt  }
0x7b: {  	_ =	shalt  }
0x7c: {  	_ =	shalt  }
0x7d: {  	_ =	shalt  }
0x7e: {  	_ =	shalt  }
0x7f: {  	_ =	shalt  }
0x80: {  	_ =	shalt  }
0x81: {  	_ =	shalt  }
0x82: {  	_ =	shalt  }
0x83: {  	_ =	shalt  }
0x84: {  	_ =	shalt  }
0x85: {  	_ =	shalt  }
0x86: {  	_ =	shalt  }
0x87: {  	_ =	shalt  }
.Lfunc_end0:
.L_simem_size_0:
called_computation_lowered:
.L_overlay_start_0:
0x88: {  	s2 =	sld [smem:$0x3FD9]  }
0x89: {  	s3 =	sld [smem:$0x3FFE];
	_ =	sdelay $0x1  }
0x8a: {  	s1 =	srdreg.scid  }
0x8b: {  	s0 =	sand.u32 $0x1, s1  }
0x8c: {  	s17 =	sshll.u32 s0, $0xA;
	s2 =	sadd.s32 s3, s2  }
0x8d: {  	s2 =	sadd.s32 s2, s17  }
0x8e: {  	[smem:$0x3FC3] =	sst s2  }
0x8f: {  	_ = 	snop  }
0x90: {  	s2 =	sld [smem:$0x3FC9]  }
0x91: {  	s18 =	sld [smem:$0x3FC8]  }
0x92: {  	s4 =	sld [smem:$0x3FC7]  }
0x93: {  	s5 =	sld [smem:$0x3FD0];
	(tm) =	ssettm $0x1  }
0x94: {  	s6 =	sld [smem:$0x3FFB];
	_ =	sdelay $0x3  }
0x95: {  	_ =	strace s6  }
0x96: {  	s6 =	sld [smem:$0x3FFC];
	_ =	sdelay $0x3  }
0x97: {  	_ =	strace s6  }
0x98: {  	s6 =	sld [smem:$0x3FFD];
	_ =	sdelay $0x3  }
0x99: {  	_ =	strace s6  }
0x9a: {  	_ =	strace $0x8FFFFFFF  }
0x9b: {  	s19 =	sld [smem:$0x3FDB];
	_ =	sdelay $0x1  }
0x9c: {  	s7 =	simm.s32 $_scs_section_size  }
0x9d: {  	s8 =	simm.s32 $_size__tile_overlayer_lowered;
	s9 =	simm.s32 $_tile_overlayer_lowered  }
0x9e: {  	s22 =	simm.s32 $0x1BFF;
	s21 =	sshll.u32 s9, $0x1;
	s6 =	sadd.s32 s7, s19  }
0x9f: {  	s10 =	simm.s32 $0x0;
	s20 =	sshll.u32 s8, $0x1;
	s8 =	sadd.s32 s21, s6  }
0xa0: {  	[timem:s10], [sflag:s22] =	dma.local [hbm:s8], s20  }
0xa1: {  	_ =	swait.ge [sflag:s22], s20  }
0xa2: {  	s7 =	ssub.s32 $0x0, s20;
	[sflag:s22] =	ssyncset.done $0x0  }
0xa3: {  	[sflag:s22] =	ssyncadd.s32 s7;
	_ =	sdelay $0x1  }
0xa4: {  	s23 =	simm.s32 $0x1B8B  }
0xa5: {  	_ =	swait.ge [sflag:s23], $0x1  }
0xa6: {  	[sflag:s23] =	ssyncset.done $0x0  }
0xa7: {  	s25 =	simm.s32 $0x1B8E;
	s24 =	sld [smem:$0x3FFE];
	[sflag:s23] =	ssyncadd.s32 $0xFFFFFFFF  }
0xa8: {  	s26 =	simm.s32 $execute0_lowered;
	[smem:$0x3FD2] =	sst s25  }
0xa9: {  	s8 =	sshll.u32 s26, $0x1;
	_ =	strace $0x80000046;
	[dreg:$0x1] =	wrdreg $0xFFFFFFFF  }
0xaa: {  	s28 =	simm.s32 $_size_execute0_lowered;
	s6 =	sadd.s32 s6, s8;
	[dreg:$0x0] =	wrdreg $0x0  }
0xab: {  	s8 =	sshll.u32 s28, $0x1;
	[dreg:$0x2] =	wrdreg s6  }
0xac: {  	[dreg:$0x3] =	wrdreg s8  }
0xad: {  	[dreg:$0x4] =	wrdreg $0xC0  }
0xae: {  	_ =	task [dreg:s10], $0x5FFFF  }
0xaf: {  	[dreg:$0x1] =	wrdreg $0xFFFFFFFF  }
0xb0: {  	[dreg:$0x0] =	wrdreg $0x60  }
0xb1: {  	[dreg:$0x2] =	wrdreg s2  }
0xb2: {  	[dreg:$0x3] =	wrdreg s18  }
0xb3: {  	[dreg:$0x4] =	wrdreg s4  }
0xb4: {  	[dreg:$0x5] =	wrdreg s24  }
0xb5: {  	[dreg:$0x6] =	wrdreg s5  }
0xb6: {  	[dreg:$0x7] =	wrdreg $0x9  }
0xb7: {  	_ =	task.clear_ibuf [dreg:s10], $0x8FFFF;
	_ =	strace $0x90000046  }
0xb8: {  	s29 =	simm.s32 $0x9;
	_ =	strace $0x80000048  }
0xb9: {  	_ =	swait.ge [sflag:s29], $0x1  }
0xba: {  	[sflag:s29] =	ssyncadd.s32 $0xFFFFFFFF  }
0xbb: {  	_ =	strace $0x90000048  }
0xbc: {  	_ =	sfence  }
0xbd: {  	s30 =	sld [smem:$0x0];
	_ =	sdelay $0x2  }
0xbe: {  	s31 =	sshll.u32 s1, $0xD;
	s1 =	sshrl.u32 s1, $0x2  }
0xbf: {  	s3 =	sand.u32 $0x4000, s31;
	s1 =	sadd.s32 s1, s30  }
0xc0: {  	s0 =	sor.u32 s3, s0;
	s1 =	sshll.u32 s1, $0x11  }
0xc1: {  	s0 =	sor.u32 s1, s0  }
0xc2: {  	s0 =	sadd.s32 $0x8F2B, s0  }
0xc3: {  	[sflag:s0] =	ssyncadd.remote.s32 $0x1  }
0xc4: {  	_ =	sfence.sel $0xFFFF  }
0xc5: {  	[dreg:$0x0] =	wrdreg $0xFFFFFFFF;
	(pc) =	sbr.abs _section_cstart, $3  }
0xc6: {  	[dreg:$0x1] =	wrdreg $0xFFFFFFFF  }
0xc7: {  	_ =	task.clear_ibuf [dreg:s10], $0x2FFFF;
	_ =	strace $0x9FFFFFFF  }
0xc8: {  	(tm) =	ssettm $0x7FFFFFFF  }
0xc9: {  	_ =	shalt  }
tec
execute0_lowered:
.L_overlay_start_1:
0x0: {  	(tag) =	ssettag $0x1  }
0x1: {  	s0 =	rddreg [dreg:$0x0]  }
0x2: {  	s2 =	rddreg [dreg:$0x1]  }
0x3: {  	s7 =	rddreg [dreg:$0x2]  }
0x4: {  	s4 =	rddreg [dreg:$0x3]  }
0x5: {  	s8 =	rddreg [dreg:$0x4]  }
0x6: {  	s1 =	simm.s32 $0x0;
	s5 =	srdreg.scid;
	s9 =	stileid.u32  }
0x7: {  	s11 =	simm.s32 $0x200;
	s12 =	simm.s32 $0x400;
	s13 =	simm.s32 $0x80  }
0x8: {  	s14 =	simm.s32 $0x600;
	s15 =	simm.s32 $0x8600;
	s16 =	simm.s32 $0x10600  }
0x9: {  	s24 =	simm.s32 $0x300;
	s25 =	simm.s32 $0xC600;
	s26 =	simm.s32 $0x500  }
0xa: {  	s28 =	simm.s32 $0x14600;
	s29 =	simm.s32 $0x180;
	s30 =	simm.s32 $0x6600  }
0xb: {  	s31 =	simm.s32 $0x380;
	s17 =	simm.s32 $0x16600;
	s18 =	simm.s32 $0x1  }
0xc: {  	s19 =	simm.s32 $0x18600;
	s20 =	simm.s32 $0x0;
	[smem:$0x7FF] =	sst s1  }
0xd: {  	s3 =	sadd.s32 $0xF42A00, s4;
	s5 =	sand.u32 $0x1, s5;
	s9 =	sshll.u32 s9, $0x7  }
0xe: {  	s4 =	sadd.s32 $0x600, s4;
	s6 =	ssub.s32 $0x2, s5;
	s5 =	sshll.u32 s5, $0x6  }
0xf: {  	_ =	strace $0x80000047;
	s10 =	sshrl.u32 s6, $0x1;
	s9 =	sor.u32 s5, s9  }
0x10: {  	s10 =	ssub.s32 s6, s10;
	s5 =	sadd.s32 s0, s9;
	s6 =	sadd.s32 s2, s9  }
0x11: {  	v0 =	vlaneseq.u32;
	s7 =	sadd.s32 s7, s9;
	s8 =	sadd.s32 s8, s9;
	s0 =	simm.s32 $0xE600  }
0x12: {  	v0 =	vmul.u32 $0x40, v0;
	s2 =	simm.s32 $0x580;
	s9 =	smax.u32 s10, $0x1;
	s10 =	simm.s32 $0x2  }
.LBB2_1:
0x13: {  	[tilespmem:s1], [sflag:$0x2] =	stream.linear.gather [hbm4b:s5+s1], $0x200, $0x38;
	[tilespmem:$0x18800] =	vst v63  }
0x14: {  	_ =	swait.ge [sflag:s10], $0x200  }
0x15: {  	[sflag:s10] =	ssyncset.done $0x0  }
0x16: {  	[sflag:s10] =	ssyncadd.s32 $0xFFFFFE00  }
0x17: {  	[tilespmem:s11], [sflag:$0x2] =	stream.linear.gather [hbm4b:s6+s1], $0x200, $0x38;
	[tilespmem:$0x18800] =	vst v63  }
0x18: {  	_ =	swait.ge [sflag:s10], $0x200  }
0x19: {  	[sflag:s10] =	ssyncset.done $0x0  }
0x1a: {  	[sflag:s10] =	ssyncadd.s32 $0xFFFFFE00  }
0x1b: {  	[tilespmem:s12], [sflag:$0x2] =	stream.linear.gather [hbm4b:s7+s1], $0x200, $0x38;
	[tilespmem:$0x18800] =	vst v63  }
0x1c: {  	_ =	swait.ge [sflag:s10], $0x200  }
0x1d: {  	[sflag:s10] =	ssyncset.done $0x0  }
0x1e: {  	[sflag:s10] =	ssyncadd.s32 $0xFFFFFE00  }
0x1f: {  	[tilespmem:s14], [sflag:$0x1] =	stream.indirect.gather [hbm4b:s3+s13], $0x40, s1, s13, $0xb8;
	[tilespmem:$0x18800] =	vst v63  }
0x20: {  	_ = 	snop  }
0x21: {  	[tilespmem:s15], [sflag:$0x1] =	stream.indirect.gather [hbm4b:s4+s13], $0x40, s11, s13, $0xb8;
	[tilespmem:$0x18800] =	vst v63  }
0x22: {  	_ = 	snop  }
0x23: {  	[tilespmem:s16], [sflag:$0x1] =	stream.indirect.gather [hbm4b:s3+s13], $0x40, s12, s13, $0xb8;
	[tilespmem:$0x18800] =	vst v63  }
0x24: {  	s21 =	simm.s32 $0x2600  }
0x25: {  	[tilespmem:s21], [sflag:$0x1] =	stream.indirect.gather [hbm4b:s3+s13], $0x40, s13, s13, $0xb8;
	[tilespmem:$0x18800] =	vst v63  }
0x26: {  	s23 =	simm.s32 $0x280;
	s22 =	simm.s32 $0xA600  }
0x27: {  	[tilespmem:s22], [sflag:$0x1] =	stream.indirect.gather [hbm4b:s4+s13], $0x40, s23, s13, $0xb8;
	[tilespmem:$0x18800] =	vst v63  }
0x28: {  	s22 =	simm.s32 $0x480;
	s23 =	simm.s32 $0x12600  }
0x29: {  	[tilespmem:s23], [sflag:$0x1] =	stream.indirect.gather [hbm4b:s3+s13], $0x40, s22, s13, $0xb8;
	[tilespmem:$0x18800] =	vst v63  }
0x2a: {  	s22 =	simm.s32 $0x100;
	s23 =	simm.s32 $0x4600  }
0x2b: {  	[tilespmem:s23], [sflag:$0x1] =	stream.indirect.gather [hbm4b:s3+s13], $0x40, s22, s13, $0xb8;
	[tilespmem:$0x18800] =	vst v63  }
0x2c: {  	_ = 	snop  }
0x2d: {  	[tilespmem:s25], [sflag:$0x1] =	stream.indirect.gather [hbm4b:s4+s13], $0x40, s24, s13, $0xb8;
	[tilespmem:$0x18800] =	vst v63  }
0x2e: {  	_ = 	snop  }
0x2f: {  	[tilespmem:s28], [sflag:$0x1] =	stream.indirect.gather [hbm4b:s3+s13], $0x40, s26, s13, $0xb8;
	[tilespmem:$0x18800] =	vst v63  }
0x30: {  	_ = 	snop  }
0x31: {  	[tilespmem:s30], [sflag:$0x1] =	stream.indirect.gather [hbm4b:s3+s13], $0x40, s29, s13, $0xb8;
	[tilespmem:$0x18800] =	vst v63  }
0x32: {  	_ = 	snop  }
0x33: {  	[tilespmem:s0], [sflag:$0x1] =	stream.indirect.gather [hbm4b:s4+s13], $0x40, s31, s13, $0xb8;
	[tilespmem:$0x18800] =	vst v63  }
0x34: {  	_ = 	snop  }
0x35: {  	[tilespmem:s17], [sflag:$0x1] =	stream.indirect.gather [hbm4b:s3+s13], $0x40, s2, s13, $0xb8;
	[tilespmem:$0x18800] =	vst v63  }
0x36: {  	_ =	swait.ge [sflag:s18], $0x2000  }
0x37: {  	[sflag:s18] =	ssyncset.done $0x0  }
0x38: {  	[sflag:s18] =	ssyncadd.s32 $0xFFFFE000  }
0x39: {  	_ =	swait.ge [sflag:s18], $0x2000  }
0x3a: {  	[sflag:s18] =	ssyncset.done $0x0  }
0x3b: {  	[sflag:s18] =	ssyncadd.s32 $0xFFFFE000  }
0x3c: {  	_ =	swait.ge [sflag:s18], $0x2000  }
0x3d: {  	[sflag:s18] =	ssyncset.done $0x0  }
0x3e: {  	[sflag:s18] =	ssyncadd.s32 $0xFFFFE000  }
0x3f: {  	_ =	swait.ge [sflag:s18], $0x2000  }
0x40: {  	[sflag:s18] =	ssyncset.done $0x0  }
0x41: {  	[sflag:s18] =	ssyncadd.s32 $0xFFFFE000  }
0x42: {  	_ =	swait.ge [sflag:s18], $0x2000  }
0x43: {  	[sflag:s18] =	ssyncset.done $0x0  }
0x44: {  	[sflag:s18] =	ssyncadd.s32 $0xFFFFE000  }
0x45: {  	_ =	swait.ge [sflag:s18], $0x2000  }
0x46: {  	[sflag:s18] =	ssyncset.done $0x0  }
0x47: {  	[sflag:s18] =	ssyncadd.s32 $0xFFFFE000  }
0x48: {  	_ =	swait.ge [sflag:s18], $0x2000  }
0x49: {  	[sflag:s18] =	ssyncset.done $0x0  }
0x4a: {  	[sflag:s18] =	ssyncadd.s32 $0xFFFFE000  }
0x4b: {  	_ =	swait.ge [sflag:s18], $0x2000  }
0x4c: {  	[sflag:s18] =	ssyncset.done $0x0  }
0x4d: {  	[sflag:s18] =	ssyncadd.s32 $0xFFFFE000  }
0x4e: {  	_ =	swait.ge [sflag:s18], $0x2000  }
0x4f: {  	[sflag:s18] =	ssyncset.done $0x0  }
0x50: {  	[sflag:s18] =	ssyncadd.s32 $0xFFFFE000  }
0x51: {  	_ =	swait.ge [sflag:s18], $0x2000  }
0x52: {  	[sflag:s18] =	ssyncset.done $0x0  }
0x53: {  	[sflag:s18] =	ssyncadd.s32 $0xFFFFE000  }
0x54: {  	_ =	swait.ge [sflag:s18], $0x2000  }
0x55: {  	[sflag:s18] =	ssyncset.done $0x0  }
0x56: {  	[sflag:s18] =	ssyncadd.s32 $0xFFFFE000  }
0x57: {  	_ =	swait.ge [sflag:s18], $0x2000  }
0x58: {  	[sflag:s18] =	ssyncset.done $0x0  }
0x59: {  	s21 =	simm.s32 $0x0;
	[sflag:s18] =	ssyncadd.s32 $0xFFFFE000  }
.LBB2_2:
0x5a: {  	s23 =	simm.s32 $0x0  }
0x5b: {  	s22 =	sshll.u32 s21, $0x4;
	v1 =	vmov s23  }
0x5c: {  	v2 =	vmov s22;
	v1 =	vand.u32 $0x3F, v1  }
0x5d: {  	v2 =	vshll.u32 v2, $0x6;
	v3 =	vbroadcast v1, $0x0  }
0x5e: {  	v1 =	vor.u32 v0, v2  }
0x5f: {  	s23 =	simm.s32 $0x1;
	v2 =	vor.u32 v1, v3  }
0x60: {  	v3 =	vmov s23  }
0x61: {  	v3 =	vand.u32 $0x3F, v3  }
0x62: {  	v3 =	vbroadcast v3, $0x0;
	_ =	sdelay $0x1  }
0x63: {  	v3 =	vor.u32 v1, v3;
	v8 =	vld.idx.msk [tilespmem:v2+s14+$0x0], $0xffff  }
0x64: {  	s23 =	simm.s32 $0x2;
	v9 =	vld.idx.msk [tilespmem:v2+s15+$0x0], $0xffff  }
0x65: {  	v4 =	vmov s23  }
0x66: {  	v5 =	vand.u32 $0x3F, v4;
	v4 =	vld.idx.msk [tilespmem:v2+s16+$0x0], $0xffff  }
0x67: {  	v6 =	vbroadcast v5, $0x0  }
0x68: {  	v5 =	vld.idx.msk [tilespmem:v3+s14+$0x0], $0xffff  }
0x69: {  	s23 =	simm.s32 $0x3;
	v2 =	vimm.f32 $0.0e+00;
	v7 =	vor.u32 v1, v6;
	v6 =	vld.idx.msk [tilespmem:v3+s15+$0x0], $0xffff;
	v8 =	vadd.f32 v9, v8  }
.LBB2_3:
0x6a: {  	p0 =	sne.s32 s23, $0x3F  }
.Ltmp0:
0x6b: {  	v9 =	vmov s23;
	v11 =	vsub.f32 v8, v4;
	v4 =	vld.idx.msk [tilespmem:v3+s16+$0x0], $0xffff;
	v3 =	vmov v7;
	(pc) =	sbr.rel @p0 .LBB2_3-.Ltmp0, $4  }
0x6c: {  	s23 =	sadd.s32 $0x1, s23;
	v9 =	vand.u32 $0x3F, v9  }
0x6d: {  	v9 =	vbroadcast v9, $0x0;
	v10 =	vand.u32 $0x7FFFFFFF, v11  }
0x6e: {  	v8 =	vmov v5;
	v2 =	vadd.f32 v10, v2;
	v5 =	vld.idx.msk [tilespmem:v7+s14+$0x0], $0xffff  }
0x6f: {  	v8 =	vadd.f32 v6, v8;
	v6 =	vld.idx.msk [tilespmem:v7+s15+$0x0], $0xffff;
	v7 =	vor.u32 v1, v9  }
0x70: {  	_ =	sdelay $0x3  }
0x71: {  	v1 =	vld.idx.msk [tilespmem:v3+s16+$0x0], $0xffff  }
0x72: {  	v3 =	vld.idx.msk [tilespmem:v7+s14+$0x0], $0xffff  }
0x73: {  	v9 =	vld.idx.msk [tilespmem:v7+s15+$0x0], $0xffff;
	_ =	sdelay $0x1  }
0x74: {  	v63 =	vld.idx.msk [tilespmem:v7+s16+$0x0], $0xffff  }
0x75: {  	v4 =	vsub.f32 v8, v4;
	v5 =	vadd.f32 v6, v5;
	_ =	sdelay $0x1  }
0x76: {  	v4 =	vand.u32 $0x7FFFFFFF, v4;
	v3 =	vadd.f32 v9, v3;
	v1 =	vsub.f32 v5, v1  }
0x77: {  	s21 =	sadd.s32 $0x1, s21;
	v2 =	vadd.f32 v4, v2  }
0x78: {  	p0 =	sne.s32 s21, $0x20;
	v3 =	vsub.f32 v3, v63;
	v1 =	vand.u32 $0x7FFFFFFF, v1  }
.Ltmp1:
0x79: {  	v1 =	vadd.f32 v1, v2;
	(pc) =	sbr.rel @p0 .LBB2_2-.Ltmp1, $3  }
0x7a: {  	v2 =	vand.u32 $0x7FFFFFFF, v3  }
0x7b: {  	v1 =	vadd.f32 v2, v1;
	_ =	sdelay $0x1  }
0x7c: {  	[tilespmem:s22+$0x18600] =	vst v1  }
0x7d: {  	s20 =	sadd.s32 $0x1, s20  }
0x7e: {  	p0 =	sne.s32 s20, s9  }
.Ltmp2:
0x7f: {  	_ = 	snop;
	(pc) =	sbr.rel @p0 .LBB2_1-.Ltmp2, $4  }
0x80: {  	[hbm4b:s8+s1] =	stream.linear.scatter [tilespmem:s19], [sflag:$0x2], $0x200, $0x38;
	[tilespmem:$0x18800] =	vst v63  }
0x81: {  	_ =	swait.ge [sflag:s10], $0x200  }
0x82: {  	[sflag:s10] =	ssyncset.done $0x0  }
0x83: {  	[sflag:s10] =	ssyncadd.s32 $0xFFFFFE00  }
0x84: {  	_ =	sfence.sel $0x180000  }
0x85: {  	[bflag:$0x0] =	sbarrier.arrive $0xFFFF  }
0x86: {  	_ =	strace $0x90000047  }
0x87: {  	s0 =	stileid.u32;
	[bflag:$0x2] =	sbarrier.arrive $0xFFFF  }
0x88: {  	p0 =	sne.s32 s0, $0x0;
	s0 =	rddreg [dreg:$0x5]  }
0x89: {  	s0 =	sadd.s32 @!p0 $0x100000, s0  }
0x8a: {  	[sflag:s0] =	ssyncadd.tile.s32 @!p0 $0x1;
	_ =	shalt  }
.Lfunc_end2:
_tile_overlayer_lowered:
.L_overlay_start_2:
0x8b: {  	(tag) =	ssettag $0x2  }
0x8c: {  	s0 =	rddreg [dreg:$0x0];
	s2 =	stileid.u32  }
0x8d: {  	s1 =	rddreg [dreg:$0x1];
	p0 =	sne.s32 s2, $0x0  }
0x8e: {  	s3 =	rddreg [dreg:$0x2];
	[bflag:$0x3] =	sbarrier.arrive $0xFFFF;
	s2 =	simm.s32 @!p0 $0x1C02  }
0x8f: {  	[timem:s3], [sflag:s2] =	dma.local @!p0 [hbm:s0], s1  }
0x90: {  	s0 =	simm.s32 @!p0 $0x2  }
0x91: {  	_ =	swait.ge @!p0 [sflag:s0], s1  }
0x92: {  	s1 =	ssub.s32 @!p0 $0x0, s1;
	[sflag:s0] =	ssyncset.done @!p0 $0x0  }
0x93: {  	[sflag:s0] =	ssyncadd.s32 @!p0 s1  }
0x94: {  	[bflag:$0x3] =	sbarrier.arrive $0xFFFF  }
0x95: {  	_ =	shalt  }

</sc_bundles>
